<compile_context>
chip_gen: v7x
topology: tpu7x:2x2x1
jax: 0.10.2.dev20260603
libtpu: 0.0.44.dev20260713+nightly
codegen_flags: <defaults>
</compile_context>

<pallas_src>
import functools

import numpy as np

import jax
import jax.numpy as jnp
from jax import lax
from jax.experimental import pallas as pl
from jax.experimental.pallas import tpu as pltpu
from jax.experimental.pallas import tpu_sc as plsc

_B0 = (2.5053229253887226, 22.462900764773437, 17.05021785931179, 12.57621125300233)
_B1 = (0.20894301395856424, 1.4590016624541282, 1.8738488642622464, 1.224105161636984)

_NC, _NS, _L = 2, 16, 16
_NW = _NC * _NS
_R, _C = 200, 16384
_W = _C // _NW

_CROWS = 40
_NCHUNK = _R // _CROWS
_NBUF = 4

_mesh = plsc.VectorSubcoreMesh(core_axis_name="c", subcore_axis_name="s")


def _lookup(s, c):
    m1 = s == 1
    m2 = s == 2
    m3 = s == 3
    b0 = jnp.where(m1, _B0[1], _B0[0])
    b0 = jnp.where(m2, _B0[2], b0)
    b0 = jnp.where(m3, _B0[3], b0)
    b1 = jnp.where(m1, _B1[1], _B1[0])
    b1 = jnp.where(m2, _B1[2], b1)
    b1 = jnp.where(m3, _B1[3], b1)
    return b0 + b1 * c



@functools.partial(
    pl.kernel,
    out_type=jax.ShapeDtypeStruct((_R, _C), jnp.int32),
    mesh=_mesh,
    scratch_types=[
        [pltpu.VMEM((_CROWS, _W), jnp.int32) for _ in range(_NBUF)],
        [pltpu.SemaphoreType.DMA for _ in range(_NBUF)],
        [pltpu.SemaphoreType.DMA for _ in range(_NBUF)],
    ],
    compiler_params=pltpu.CompilerParams(use_tc_tiling_on_sc=True),
)
def _species_echo_sc(species_hbm, sout_hbm, buf, in_sems, out_sems):
    wid = lax.axis_index("s") * _NC + lax.axis_index("c")
    col0 = wid * _W

    in_d, out_d = {}, {}

    def issue_in(ci):
        b = ci % _NBUF
        r0 = ci * _CROWS
        in_d[ci] = pltpu.async_copy(
            species_hbm.at[pl.ds(r0, _CROWS), pl.ds(col0, _W)], buf[b],
            in_sems[b])

    for ci in range(min(_NBUF, _NCHUNK)):
        issue_in(ci)
    for ci in range(_NCHUNK):
        b = ci % _NBUF
        in_d.pop(ci).wait()
        r0 = ci * _CROWS
        out_d[ci] = pltpu.async_copy(
            buf[b], sout_hbm.at[pl.ds(r0, _CROWS), pl.ds(col0, _W)],
            out_sems[b])
        if ci + _NBUF < _NCHUNK:
            out_d.pop(ci).wait()
            issue_in(ci + _NBUF)
    for d in out_d.values():
        d.wait()



_FBLK = 2048


def _tc_body(s_ref, c_ref, r_ref):
    r_ref[...] = _lookup(s_ref[...], c_ref[...])


def _shift_tc(st, ct):
    return pl.pallas_call(
        _tc_body,
        grid=(_C // _FBLK,),
        in_specs=[
            pl.BlockSpec((_R, _FBLK), lambda i: (0, i)),
            pl.BlockSpec((_R, _FBLK), lambda i: (0, i)),
        ],
        out_specs=pl.BlockSpec((_R, _FBLK), lambda i: (0, i)),
        out_shape=jax.ShapeDtypeStruct((_R, _C), jnp.float32),
    )(st, ct)


def kernel(species, coef):
    st, ct = species.T, coef.T
    sout_t = _species_echo_sc(st)
    res_t = _shift_tc(st, ct)
    return (sout_t.T, res_t.T)

# --- scband reference (transcript-rebuilt; emitter-appended) ---
"""Pipeline reference for scband-shifter-77068893160118 (READ-ONLY COPY).

The authoritative reference and input builder live on the scoring server;
editing this copy changes nothing except your own understanding.
"""

import jax, jax.numpy as jnp
import numpy as np

B0 = jnp.array([2.5053229253887226, 22.462900764773437, 17.05021785931179, 12.57621125300233], dtype=jnp.float32)
B1 = jnp.array([0.20894301395856424, 1.4590016624541282, 1.8738488642622464, 1.224105161636984], dtype=jnp.float32)


def setup_inputs(seed: int = 0) -> dict:
    key = jax.random.key(seed)
    k1, k2 = jax.random.split(key)
    species = jax.random.randint(k1, (16384, 200), 0, 4, dtype=jnp.int64 if jax.config.jax_enable_x64 else jnp.int32).astype(jnp.int32)
    coef = jax.random.normal(k2, (16384, 200), dtype=jnp.float32)
    return {"species": species, "coef": coef}


def reference(species, coef):
    # Shifter.forward: x = (species, coef)
    # result zeros; for i in range(4): mask = species == i; result[mask] = b0[i] + b1[i]*coef[mask]
    # Equivalent: gather b0/b1 by species where species in [0, n); zero elsewhere.
    n = B0.shape[0]
    valid = (species >= 0) & (species < n)
    idx = jnp.clip(species, 0, n - 1)
    b0 = jnp.take(B0, idx, axis=0)
    b1 = jnp.take(B1, idx, axis=0)
    result = jnp.where(valid, b0 + b1 * coef, jnp.zeros_like(coef))
    return (species, result)

if __name__ == "__main__":
    import jax
    _d = setup_inputs()
    print(jax.jit(kernel)(*tuple(_d.values())))

</pallas_src>

<mosaic_0001>
#map = affine_map<(d0, d1) -> (0, 0)>
module attributes {stable_mosaic.version = 14 : i64} {
  func.func @_species_echo_sc(%arg0: i32, %arg1: i32, %arg2: memref<200x16384xi32, #tpu.memory_space<hbm>>, %arg3: memref<200x16384xi32, #tpu.memory_space<hbm>>, %arg4: memref<40x512xi32, #tpu.memory_space<vmem>>, %arg5: memref<40x512xi32, #tpu.memory_space<vmem>>, %arg6: memref<40x512xi32, #tpu.memory_space<vmem>>, %arg7: memref<40x512xi32, #tpu.memory_space<vmem>>, %arg8: memref<!tpu.dma_semaphore, #tpu.memory_space<semaphore_mem>>, %arg9: memref<!tpu.dma_semaphore, #tpu.memory_space<semaphore_mem>>, %arg10: memref<!tpu.dma_semaphore, #tpu.memory_space<semaphore_mem>>, %arg11: memref<!tpu.dma_semaphore, #tpu.memory_space<semaphore_mem>>, %arg12: memref<!tpu.dma_semaphore, #tpu.memory_space<semaphore_mem>>, %arg13: memref<!tpu.dma_semaphore, #tpu.memory_space<semaphore_mem>>, %arg14: memref<!tpu.dma_semaphore, #tpu.memory_space<semaphore_mem>>, %arg15: memref<!tpu.dma_semaphore, #tpu.memory_space<semaphore_mem>>) attributes {dimension_semantics = [#tpu.dimension_semantics<core_parallel>, #tpu.dimension_semantics<subcore_parallel>], iteration_bounds = array<i64: 2, 16>, scalar_prefetch = 0 : i64, scratch_operands = 12 : i64, tpu.core_type = #tpu.core_type<sc_vector_subcore>, window_params = [{transform_indices = #map}, {transform_indices = #map}]} {
    %mul3A = arith.constant 2 : i32
    %mul3A_0 = arith.muli %arg1, %mul3A : i32
    %add3A = arith.addi %mul3A_0, %arg0 : i32
    %mul3A_1 = arith.constant 512 : i32
    %mul3A_2 = arith.muli %add3A, %mul3A_1 : i32
    %dma_start3A = arith.constant 0 : i32
    %dma_start3A_3 = tpu.memref_slice %arg2[%dma_start3A, %mul3A_2] : memref<200x16384xi32, #tpu.memory_space<hbm>> -> memref<40x512xi32, #tpu.memory_space<hbm>>
    %dma_start3A_4 = arith.constant 0 : i32
    %dma_start3A_5 = tpu.memref_slice %arg2[%dma_start3A_4, %mul3A_2] : memref<200x16384xi32, #tpu.memory_space<hbm>> -> memref<40x512xi32, #tpu.memory_space<hbm>>
    tpu.enqueue_dma source(%dma_start3A_5 : memref<40x512xi32, #tpu.memory_space<hbm>>) target(%arg4 : memref<40x512xi32, #tpu.memory_space<vmem>>) target_semaphore(%arg8 : memref<!tpu.dma_semaphore, #tpu.memory_space<semaphore_mem>>)
    %dma_start3A_6 = arith.constant 40 : i32
    %dma_start3A_7 = tpu.memref_slice %arg2[%dma_start3A_6, %mul3A_2] : memref<200x16384xi32, #tpu.memory_space<hbm>> -> memref<40x512xi32, #tpu.memory_space<hbm>>
    %dma_start3A_8 = arith.constant 40 : i32
    %dma_start3A_9 = tpu.memref_slice %arg2[%dma_start3A_8, %mul3A_2] : memref<200x16384xi32, #tpu.memory_space<hbm>> -> memref<40x512xi32, #tpu.memory_space<hbm>>
    tpu.enqueue_dma source(%dma_start3A_9 : memref<40x512xi32, #tpu.memory_space<hbm>>) target(%arg5 : memref<40x512xi32, #tpu.memory_space<vmem>>) target_semaphore(%arg9 : memref<!tpu.dma_semaphore, #tpu.memory_space<semaphore_mem>>)
    %dma_start3A_10 = arith.constant 80 : i32
    %dma_start3A_11 = tpu.memref_slice %arg2[%dma_start3A_10, %mul3A_2] : memref<200x16384xi32, #tpu.memory_space<hbm>> -> memref<40x512xi32, #tpu.memory_space<hbm>>
    %dma_start3A_12 = arith.constant 80 : i32
    %dma_start3A_13 = tpu.memref_slice %arg2[%dma_start3A_12, %mul3A_2] : memref<200x16384xi32, #tpu.memory_space<hbm>> -> memref<40x512xi32, #tpu.memory_space<hbm>>
    tpu.enqueue_dma source(%dma_start3A_13 : memref<40x512xi32, #tpu.memory_space<hbm>>) target(%arg6 : memref<40x512xi32, #tpu.memory_space<vmem>>) target_semaphore(%arg10 : memref<!tpu.dma_semaphore, #tpu.memory_space<semaphore_mem>>)
    %dma_start3A_14 = arith.constant 120 : i32
    %dma_start3A_15 = tpu.memref_slice %arg2[%dma_start3A_14, %mul3A_2] : memref<200x16384xi32, #tpu.memory_space<hbm>> -> memref<40x512xi32, #tpu.memory_space<hbm>>
    %dma_start3A_16 = arith.constant 120 : i32
    %dma_start3A_17 = tpu.memref_slice %arg2[%dma_start3A_16, %mul3A_2] : memref<200x16384xi32, #tpu.memory_space<hbm>> -> memref<40x512xi32, #tpu.memory_space<hbm>>
    tpu.enqueue_dma source(%dma_start3A_17 : memref<40x512xi32, #tpu.memory_space<hbm>>) target(%arg7 : memref<40x512xi32, #tpu.memory_space<vmem>>) target_semaphore(%arg11 : memref<!tpu.dma_semaphore, #tpu.memory_space<semaphore_mem>>)
    %dma_wait3A = arith.constant 0 : i32
    %dma_wait3A_18 = tpu.memref_slice %arg2[%dma_wait3A, %mul3A_2] : memref<200x16384xi32, #tpu.memory_space<hbm>> -> memref<40x512xi32, #tpu.memory_space<hbm>>
    %dma_wait3A_19 = arith.constant 0 : i32
    %dma_wait3A_20 = tpu.memref_slice %arg2[%dma_wait3A_19, %mul3A_2] : memref<200x16384xi32, #tpu.memory_space<hbm>> -> memref<40x512xi32, #tpu.memory_space<hbm>>
    tpu.wait_dma2 semaphore(%arg8 : memref<!tpu.dma_semaphore, #tpu.memory_space<semaphore_mem>>) src(%dma_wait3A_20 : memref<40x512xi32, #tpu.memory_space<hbm>>) dst(%arg4 : memref<40x512xi32, #tpu.memory_space<vmem>>)
    %dma_start3A_21 = arith.constant 0 : i32
    %dma_start3A_22 = tpu.memref_slice %arg3[%dma_start3A_21, %mul3A_2] : memref<200x16384xi32, #tpu.memory_space<hbm>> -> memref<40x512xi32, #tpu.memory_space<hbm>>
    %dma_start3A_23 = arith.constant 0 : i32
    %dma_start3A_24 = tpu.memref_slice %arg3[%dma_start3A_23, %mul3A_2] : memref<200x16384xi32, #tpu.memory_space<hbm>> -> memref<40x512xi32, #tpu.memory_space<hbm>>
    tpu.enqueue_dma source(%arg4 : memref<40x512xi32, #tpu.memory_space<vmem>>) target(%dma_start3A_24 : memref<40x512xi32, #tpu.memory_space<hbm>>) target_semaphore(%arg12 : memref<!tpu.dma_semaphore, #tpu.memory_space<semaphore_mem>>)
    %dma_wait3A_25 = arith.constant 0 : i32
    %dma_wait3A_26 = tpu.memref_slice %arg3[%dma_wait3A_25, %mul3A_2] : memref<200x16384xi32, #tpu.memory_space<hbm>> -> memref<40x512xi32, #tpu.memory_space<hbm>>
    %dma_wait3A_27 = arith.constant 0 : i32
    %dma_wait3A_28 = tpu.memref_slice %arg3[%dma_wait3A_27, %mul3A_2] : memref<200x16384xi32, #tpu.memory_space<hbm>> -> memref<40x512xi32, #tpu.memory_space<hbm>>
    tpu.wait_dma2 semaphore(%arg12 : memref<!tpu.dma_semaphore, #tpu.memory_space<semaphore_mem>>) src(%arg4 : memref<40x512xi32, #tpu.memory_space<vmem>>) dst(%dma_wait3A_28 : memref<40x512xi32, #tpu.memory_space<hbm>>)
    %dma_start3A_29 = arith.constant 160 : i32
    %dma_start3A_30 = tpu.memref_slice %arg2[%dma_start3A_29, %mul3A_2] : memref<200x16384xi32, #tpu.memory_space<hbm>> -> memref<40x512xi32, #tpu.memory_space<hbm>>
    %dma_start3A_31 = arith.constant 160 : i32
    %dma_start3A_32 = tpu.memref_slice %arg2[%dma_start3A_31, %mul3A_2] : memref<200x16384xi32, #tpu.memory_space<hbm>> -> memref<40x512xi32, #tpu.memory_space<hbm>>
    tpu.enqueue_dma source(%dma_start3A_32 : memref<40x512xi32, #tpu.memory_space<hbm>>) target(%arg4 : memref<40x512xi32, #tpu.memory_space<vmem>>) target_semaphore(%arg8 : memref<!tpu.dma_semaphore, #tpu.memory_space<semaphore_mem>>)
    %dma_wait3A_33 = arith.constant 40 : i32
    %dma_wait3A_34 = tpu.memref_slice %arg2[%dma_wait3A_33, %mul3A_2] : memref<200x16384xi32, #tpu.memory_space<hbm>> -> memref<40x512xi32, #tpu.memory_space<hbm>>
    %dma_wait3A_35 = arith.constant 40 : i32
    %dma_wait3A_36 = tpu.memref_slice %arg2[%dma_wait3A_35, %mul3A_2] : memref<200x16384xi32, #tpu.memory_space<hbm>> -> memref<40x512xi32, #tpu.memory_space<hbm>>
    tpu.wait_dma2 semaphore(%arg9 : memref<!tpu.dma_semaphore, #tpu.memory_space<semaphore_mem>>) src(%dma_wait3A_36 : memref<40x512xi32, #tpu.memory_space<hbm>>) dst(%arg5 : memref<40x512xi32, #tpu.memory_space<vmem>>)
    %dma_start3A_37 = arith.constant 40 : i32
    %dma_start3A_38 = tpu.memref_slice %arg3[%dma_start3A_37, %mul3A_2] : memref<200x16384xi32, #tpu.memory_space<hbm>> -> memref<40x512xi32, #tpu.memory_space<hbm>>
    %dma_start3A_39 = arith.constant 40 : i32
    %dma_start3A_40 = tpu.memref_slice %arg3[%dma_start3A_39, %mul3A_2] : memref<200x16384xi32, #tpu.memory_space<hbm>> -> memref<40x512xi32, #tpu.memory_space<hbm>>
    tpu.enqueue_dma source(%arg5 : memref<40x512xi32, #tpu.memory_space<vmem>>) target(%dma_start3A_40 : memref<40x512xi32, #tpu.memory_space<hbm>>) target_semaphore(%arg13 : memref<!tpu.dma_semaphore, #tpu.memory_space<semaphore_mem>>)
    %dma_wait3A_41 = arith.constant 80 : i32
    %dma_wait3A_42 = tpu.memref_slice %arg2[%dma_wait3A_41, %mul3A_2] : memref<200x16384xi32, #tpu.memory_space<hbm>> -> memref<40x512xi32, #tpu.memory_space<hbm>>
    %dma_wait3A_43 = arith.constant 80 : i32
    %dma_wait3A_44 = tpu.memref_slice %arg2[%dma_wait3A_43, %mul3A_2] : memref<200x16384xi32, #tpu.memory_space<hbm>> -> memref<40x512xi32, #tpu.memory_space<hbm>>
    tpu.wait_dma2 semaphore(%arg10 : memref<!tpu.dma_semaphore, #tpu.memory_space<semaphore_mem>>) src(%dma_wait3A_44 : memref<40x512xi32, #tpu.memory_space<hbm>>) dst(%arg6 : memref<40x512xi32, #tpu.memory_space<vmem>>)
    %dma_start3A_45 = arith.constant 80 : i32
    %dma_start3A_46 = tpu.memref_slice %arg3[%dma_start3A_45, %mul3A_2] : memref<200x16384xi32, #tpu.memory_space<hbm>> -> memref<40x512xi32, #tpu.memory_space<hbm>>
    %dma_start3A_47 = arith.constant 80 : i32
    %dma_start3A_48 = tpu.memref_slice %arg3[%dma_start3A_47, %mul3A_2] : memref<200x16384xi32, #tpu.memory_space<hbm>> -> memref<40x512xi32, #tpu.memory_space<hbm>>
    tpu.enqueue_dma source(%arg6 : memref<40x512xi32, #tpu.memory_space<vmem>>) target(%dma_start3A_48 : memref<40x512xi32, #tpu.memory_space<hbm>>) target_semaphore(%arg14 : memref<!tpu.dma_semaphore, #tpu.memory_space<semaphore_mem>>)
    %dma_wait3A_49 = arith.constant 120 : i32
    %dma_wait3A_50 = tpu.memref_slice %arg2[%dma_wait3A_49, %mul3A_2] : memref<200x16384xi32, #tpu.memory_space<hbm>> -> memref<40x512xi32, #tpu.memory_space<hbm>>
    %dma_wait3A_51 = arith.constant 120 : i32
    %dma_wait3A_52 = tpu.memref_slice %arg2[%dma_wait3A_51, %mul3A_2] : memref<200x16384xi32, #tpu.memory_space<hbm>> -> memref<40x512xi32, #tpu.memory_space<hbm>>
    tpu.wait_dma2 semaphore(%arg11 : memref<!tpu.dma_semaphore, #tpu.memory_space<semaphore_mem>>) src(%dma_wait3A_52 : memref<40x512xi32, #tpu.memory_space<hbm>>) dst(%arg7 : memref<40x512xi32, #tpu.memory_space<vmem>>)
    %dma_start3A_53 = arith.constant 120 : i32
    %dma_start3A_54 = tpu.memref_slice %arg3[%dma_start3A_53, %mul3A_2] : memref<200x16384xi32, #tpu.memory_space<hbm>> -> memref<40x512xi32, #tpu.memory_space<hbm>>
    %dma_start3A_55 = arith.constant 120 : i32
    %dma_start3A_56 = tpu.memref_slice %arg3[%dma_start3A_55, %mul3A_2] : memref<200x16384xi32, #tpu.memory_space<hbm>> -> memref<40x512xi32, #tpu.memory_space<hbm>>
    tpu.enqueue_dma source(%arg7 : memref<40x512xi32, #tpu.memory_space<vmem>>) target(%dma_start3A_56 : memref<40x512xi32, #tpu.memory_space<hbm>>) target_semaphore(%arg15 : memref<!tpu.dma_semaphore, #tpu.memory_space<semaphore_mem>>)
    %dma_wait3A_57 = arith.constant 160 : i32
    %dma_wait3A_58 = tpu.memref_slice %arg2[%dma_wait3A_57, %mul3A_2] : memref<200x16384xi32, #tpu.memory_space<hbm>> -> memref<40x512xi32, #tpu.memory_space<hbm>>
    %dma_wait3A_59 = arith.constant 160 : i32
    %dma_wait3A_60 = tpu.memref_slice %arg2[%dma_wait3A_59, %mul3A_2] : memref<200x16384xi32, #tpu.memory_space<hbm>> -> memref<40x512xi32, #tpu.memory_space<hbm>>
    tpu.wait_dma2 semaphore(%arg8 : memref<!tpu.dma_semaphore, #tpu.memory_space<semaphore_mem>>) src(%dma_wait3A_60 : memref<40x512xi32, #tpu.memory_space<hbm>>) dst(%arg4 : memref<40x512xi32, #tpu.memory_space<vmem>>)
    %dma_start3A_61 = arith.constant 160 : i32
    %dma_start3A_62 = tpu.memref_slice %arg3[%dma_start3A_61, %mul3A_2] : memref<200x16384xi32, #tpu.memory_space<hbm>> -> memref<40x512xi32, #tpu.memory_space<hbm>>
    %dma_start3A_63 = arith.constant 160 : i32
    %dma_start3A_64 = tpu.memref_slice %arg3[%dma_start3A_63, %mul3A_2] : memref<200x16384xi32, #tpu.memory_space<hbm>> -> memref<40x512xi32, #tpu.memory_space<hbm>>
    tpu.enqueue_dma source(%arg4 : memref<40x512xi32, #tpu.memory_space<vmem>>) target(%dma_start3A_64 : memref<40x512xi32, #tpu.memory_space<hbm>>) target_semaphore(%arg12 : memref<!tpu.dma_semaphore, #tpu.memory_space<semaphore_mem>>)
    %dma_wait3A_65 = arith.constant 40 : i32
    %dma_wait3A_66 = tpu.memref_slice %arg3[%dma_wait3A_65, %mul3A_2] : memref<200x16384xi32, #tpu.memory_space<hbm>> -> memref<40x512xi32, #tpu.memory_space<hbm>>
    %dma_wait3A_67 = arith.constant 40 : i32
    %dma_wait3A_68 = tpu.memref_slice %arg3[%dma_wait3A_67, %mul3A_2] : memref<200x16384xi32, #tpu.memory_space<hbm>> -> memref<40x512xi32, #tpu.memory_space<hbm>>
    tpu.wait_dma2 semaphore(%arg13 : memref<!tpu.dma_semaphore, #tpu.memory_space<semaphore_mem>>) src(%arg5 : memref<40x512xi32, #tpu.memory_space<vmem>>) dst(%dma_wait3A_68 : memref<40x512xi32, #tpu.memory_space<hbm>>)
    %dma_wait3A_69 = arith.constant 80 : i32
    %dma_wait3A_70 = tpu.memref_slice %arg3[%dma_wait3A_69, %mul3A_2] : memref<200x16384xi32, #tpu.memory_space<hbm>> -> memref<40x512xi32, #tpu.memory_space<hbm>>
    %dma_wait3A_71 = arith.constant 80 : i32
    %dma_wait3A_72 = tpu.memref_slice %arg3[%dma_wait3A_71, %mul3A_2] : memref<200x16384xi32, #tpu.memory_space<hbm>> -> memref<40x512xi32, #tpu.memory_space<hbm>>
    tpu.wait_dma2 semaphore(%arg14 : memref<!tpu.dma_semaphore, #tpu.memory_space<semaphore_mem>>) src(%arg6 : memref<40x512xi32, #tpu.memory_space<vmem>>) dst(%dma_wait3A_72 : memref<40x512xi32, #tpu.memory_space<hbm>>)
    %dma_wait3A_73 = arith.constant 120 : i32
    %dma_wait3A_74 = tpu.memref_slice %arg3[%dma_wait3A_73, %mul3A_2] : memref<200x16384xi32, #tpu.memory_space<hbm>> -> memref<40x512xi32, #tpu.memory_space<hbm>>
    %dma_wait3A_75 = arith.constant 120 : i32
    %dma_wait3A_76 = tpu.memref_slice %arg3[%dma_wait3A_75, %mul3A_2] : memref<200x16384xi32, #tpu.memory_space<hbm>> -> memref<40x512xi32, #tpu.memory_space<hbm>>
    tpu.wait_dma2 semaphore(%arg15 : memref<!tpu.dma_semaphore, #tpu.memory_space<semaphore_mem>>) src(%arg7 : memref<40x512xi32, #tpu.memory_space<vmem>>) dst(%dma_wait3A_76 : memref<40x512xi32, #tpu.memory_space<hbm>>)
    %dma_wait3A_77 = arith.constant 160 : i32
    %dma_wait3A_78 = tpu.memref_slice %arg3[%dma_wait3A_77, %mul3A_2] : memref<200x16384xi32, #tpu.memory_space<hbm>> -> memref<40x512xi32, #tpu.memory_space<hbm>>
    %dma_wait3A_79 = arith.constant 160 : i32
    %dma_wait3A_80 = tpu.memref_slice %arg3[%dma_wait3A_79, %mul3A_2] : memref<200x16384xi32, #tpu.memory_space<hbm>> -> memref<40x512xi32, #tpu.memory_space<hbm>>
    tpu.wait_dma2 semaphore(%arg12 : memref<!tpu.dma_semaphore, #tpu.memory_space<semaphore_mem>>) src(%arg4 : memref<40x512xi32, #tpu.memory_space<vmem>>) dst(%dma_wait3A_80 : memref<40x512xi32, #tpu.memory_space<hbm>>)
    return
  }
}

module attributes {stable_mosaic.version = 14 : i64} {
  func.func @_tc_body(%arg0: i32, %arg1: memref<200x2048xi32, #tpu.memory_space<vmem>>, %arg2: memref<200x2048xf32, #tpu.memory_space<vmem>>, %arg3: memref<200x2048xf32, #tpu.memory_space<vmem>>) attributes {dimension_semantics = [#tpu.dimension_semantics<arbitrary>], iteration_bounds = array<i64: 8>, scalar_prefetch = 0 : i64, scratch_operands = 0 : i64, tpu.core_type = #tpu.core_type<tc>, window_params = [{transform_indices = @transform_0, window_bounds = array<i64: 200, 2048>}, {transform_indices = @transform_1, window_bounds = array<i64: 200, 2048>}, {transform_indices = @transform_2, window_bounds = array<i64: 200, 2048>}]} {
    %get3A = arith.constant 0 : index
    %get3A_0 = arith.constant 0 : index
    %get3A_1 = vector.load %arg1[%get3A, %get3A_0] : memref<200x2048xi32, #tpu.memory_space<vmem>>, vector<200x2048xi32>
    %get3A_2 = arith.constant 0 : index
    %get3A_3 = arith.constant 0 : index
    %get3A_4 = vector.load %arg2[%get3A_2, %get3A_3] : memref<200x2048xf32, #tpu.memory_space<vmem>>, vector<200x2048xf32>
    %eq3A = arith.constant 1 : i32
    %eq3A_5 = vector.broadcast %eq3A : i32 to vector<200x2048xi32>
    %eq3A_6 = arith.cmpi eq, %get3A_1, %eq3A_5 : vector<200x2048xi32>
    %eq3A_7 = arith.constant 2 : i32
    %eq3A_8 = vector.broadcast %eq3A_7 : i32 to vector<200x2048xi32>
    %eq3A_9 = arith.cmpi eq, %get3A_1, %eq3A_8 : vector<200x2048xi32>
    %eq3A_10 = arith.constant 3 : i32
    %eq3A_11 = vector.broadcast %eq3A_10 : i32 to vector<200x2048xi32>
    %eq3A_12 = arith.cmpi eq, %get3A_1, %eq3A_11 : vector<200x2048xi32>
    %jit3A = arith.constant 2.246290e+01 : f32
    %jit3A_13 = arith.constant 2.50532293 : f32
    %broadcast_in_dim3A = vector.broadcast %jit3A : f32 to vector<200x2048xf32>
    %broadcast_in_dim3A_14 = vector.broadcast %jit3A_13 : f32 to vector<200x2048xf32>
    %select_n3A = arith.select %eq3A_6, %broadcast_in_dim3A, %broadcast_in_dim3A_14 : vector<200x2048xi1>, vector<200x2048xf32>
    %jit3A_15 = arith.constant 17.0502186 : f32
    %broadcast_in_dim3A_16 = vector.broadcast %jit3A_15 : f32 to vector<200x2048xf32>
    %select_n3A_17 = arith.select %eq3A_9, %broadcast_in_dim3A_16, %select_n3A : vector<200x2048xi1>, vector<200x2048xf32>
    %jit3A_18 = arith.constant 12.576211 : f32
    %broadcast_in_dim3A_19 = vector.broadcast %jit3A_18 : f32 to vector<200x2048xf32>
    %select_n3A_20 = arith.select %eq3A_12, %broadcast_in_dim3A_19, %select_n3A_17 : vector<200x2048xi1>, vector<200x2048xf32>
    %jit3A_21 = arith.constant 1.45900166 : f32
    %jit3A_22 = arith.constant 0.208943009 : f32
    %broadcast_in_dim3A_23 = vector.broadcast %jit3A_21 : f32 to vector<200x2048xf32>
    %broadcast_in_dim3A_24 = vector.broadcast %jit3A_22 : f32 to vector<200x2048xf32>
    %select_n3A_25 = arith.select %eq3A_6, %broadcast_in_dim3A_23, %broadcast_in_dim3A_24 : vector<200x2048xi1>, vector<200x2048xf32>
    %jit3A_26 = arith.constant 1.87384892 : f32
    %broadcast_in_dim3A_27 = vector.broadcast %jit3A_26 : f32 to vector<200x2048xf32>
    %select_n3A_28 = arith.select %eq3A_9, %broadcast_in_dim3A_27, %select_n3A_25 : vector<200x2048xi1>, vector<200x2048xf32>
    %jit3A_29 = arith.constant 1.22410512 : f32
    %broadcast_in_dim3A_30 = vector.broadcast %jit3A_29 : f32 to vector<200x2048xf32>
    %select_n3A_31 = arith.select %eq3A_12, %broadcast_in_dim3A_30, %select_n3A_28 : vector<200x2048xi1>, vector<200x2048xf32>
    %mul3A = arith.mulf %select_n3A_31, %get3A_4 : vector<200x2048xf32>
    %add3A = arith.addf %select_n3A_20, %mul3A : vector<200x2048xf32>
    %swap3A = arith.constant 0 : index
    %swap3A_32 = arith.constant 0 : index
    %swap3A_33 = vector.load %arg3[%swap3A, %swap3A_32] : memref<200x2048xf32, #tpu.memory_space<vmem>>, vector<200x2048xf32>
    tpu.vector_store %arg3[%swap3A, %swap3A_32], %add3A {strides = array<i32>} : memref<200x2048xf32, #tpu.memory_space<vmem>>, vector<200x2048xf32>,
    return
  }
  func.func @transform_0(%arg0: i32) -> (i32, i32) {
    %c0_i32 = arith.constant 0 : i32
    %c0_i32_0 = arith.constant 0 : i32
    return %c0_i32, %arg0 : i32, i32
  }
  func.func @transform_1(%arg0: i32) -> (i32, i32) {
    %c0_i32 = arith.constant 0 : i32
    %c0_i32_0 = arith.constant 0 : i32
    return %c0_i32, %arg0 : i32, i32
  }
  func.func @transform_2(%arg0: i32) -> (i32, i32) {
    %c0_i32 = arith.constant 0 : i32
    %c0_i32_0 = arith.constant 0 : i32
    return %c0_i32, %arg0 : i32, i32
  }
}

</mosaic_0001>

<sc_bundles>
// kernel: kernel.4.cloned.1.call-start
scs
__scs_entry_jumppad:
0x0: {  	(pc) =	sbr.rel $0x88, $3  }
0x1: {  	(tag) =	ssettag $0x0;
	lr =	simm.s32 $0x1  }
0x2: {  	[smem:$0x3F9F] =	sst lr;
	_ =	strace $0xD0000000  }
0x3: {  	_ = 	snop  }
0x4: {  	_ = 	snop  }
0x5: {  	_ = 	snop  }
0x6: {  	_ = 	snop  }
0x7: {  	_ = 	snop  }
__scs_overlays_trampoline_lowered:
0x8: {  	[smem:$0x3FAE] =	sst s0  }
0x9: {  	[smem:$0x3FAF] =	sst s1  }
0xa: {  	[smem:$0x3FB0] =	sst s2  }
0xb: {  	[smem:$0x3FB1] =	sst s3  }
0xc: {  	[smem:$0x3FB2] =	sst s4  }
0xd: {  	[smem:$0x3FB3] =	sst s5  }
0xe: {  	[smem:$0x3FB4] =	sst s6  }
0xf: {  	[smem:$0x3FB5] =	sst s7  }
0x10: {  	[smem:$0x3FB6] =	sst s8  }
0x11: {  	[smem:$0x3FB7] =	sst s9;
	s0 =	simm.s32 @!p0 $0x0  }
0x12: {  	s1 =	sld [smem:$0x3F9D];
	s0 =	simm.s32 @p0 $0x1  }
0x13: {  	[smem:$0x3FB8] =	sst s0;
	s0 =	simm.s32 @!p1 $0x0  }
0x14: {  	s2 =	sld [smem:$0x3F9C];
	s0 =	simm.s32 @p1 $0x1  }
0x15: {  	[smem:$0x3FB9] =	sst s0;
	s0 =	simm.s32 @!p2 $0x0  }
0x16: {  	s3 =	sld [smem:$0x3FDB];
	s0 =	simm.s32 @p2 $0x1  }
0x17: {  	s4 =	simm.s32 $0x1BF5;
	[smem:$0x3FBB] =	sst s0  }
0x18: {  	s0 =	sld [smem:$0x3F9E];
	_ =	swait.ge [sflag:s4], $0x0  }
0x19: {  	s7 =	sld [smem:$0x3F9F]  }
0x1a: {  	s8 =	sadd.s32 $0xFFFFE003, lr  }
0x1b: {  	s9 =	sadd.s32 $0xFFFFFEF7, lr;
	s5 =	simm.s32 $0xFFFFFFFF;
	p2 =	slt.u32 s8, $0xFFFFF086  }
0x1c: {  	p1 =	slt.u32 s9, $0xF7A;
	s5 =	simm.s32 @!p2 $0x0  }
0x1d: {  	s5 =	simm.s32 @p1 $0x1;
	p0 =	seq.s32 s7, s2  }
0x1e: {  	s7 =	smul.u32 @!p0 $0xF7A, s2;
	p2 =	seq.s32 @!p0 s5, $0x0  }
0x1f: {  	s9 =	smul.u32 $0xF7A, s1;
	s8 =	simm.s32 @!p0 $0x1BF5;
	p2 =	por !p2, p0  }
0x20: {  	[sflag:s8] =	ssyncset.s32 @!p0 $0xFFFFF086;
	s6 =	sadd.s32 @!p0 s3, s7;
	s7 =	simm.s32 @!p0 $0x108  }
0x21: {  	s3 =	sadd.s32 s3, s9;
	s6 =	sadd.s32 @!p0 $0x88, s6;
	s7 =	simm.s32 @p2 $0x1082  }
0x22: {  	[simem:s7], [sflag:s8] =	dma.local @!p0 [hbm:s6], $0xF7A  }
0x23: {  	s9 =	sor.u32 $0xD0000000, s2;
	s6 =	simm.s32 $0x108;
	_ =	swait.ge @!p0 [sflag:s8], $0x0  }
0x24: {  	s3 =	sadd.s32 $0x88, s3;
	s6 =	simm.s32 @!p1 $0x1082;
	[sflag:s4] =	ssyncset.s32 $0xFFFFF086  }
0x25: {  	[simem:s6], [sflag:s4] =	dma.local [hbm:s3], $0xF7A  }
0x26: {  	[smem:$0x3F9F] =	sst s1;
	(tag) =	ssettag s2;
	_ =	strace s9  }
0x27: {  	s1 =	sld [smem:$0x3FAF]  }
0x28: {  	s2 =	sld [smem:$0x3FB0]  }
0x29: {  	s4 =	sld [smem:$0x3FB2]  }
0x2a: {  	p0 =	seq.s32 s5, $0x0;
	s5 =	sld [smem:$0x3FB3]  }
0x2b: {  	s6 =	sld [smem:$0x3FB4]  }
0x2c: {  	s7 =	sld [smem:$0x3FB5]  }
0x2d: {  	s3 =	simm.s32 $0x108;
	s8 =	sld [smem:$0x3FB6]  }
0x2e: {  	s3 =	simm.s32 @!p0 $0x1082;
	s9 =	sld [smem:$0x3FB7]  }
0x2f: {  	lr =	sadd.s32 s0, s3;
	s0 =	sld [smem:$0x3FAE]  }
0x30: {  	s3 =	sld [smem:$0x3FB1]  }
0x31: {  	[smem:$0x3FBA] =	sst s10  }
0x32: {  	s10 =	sld [smem:$0x3FB8];
	_ =	sdelay $0x3  }
0x33: {  	p0 =	seq.s32 s10, $0x1;
	s10 =	sld [smem:$0x3FBA];
	_ =	sdelay $0x3  }
0x34: {  	[smem:$0x3FBA] =	sst s10  }
0x35: {  	s10 =	sld [smem:$0x3FB9];
	_ =	sdelay $0x3  }
0x36: {  	p1 =	seq.s32 s10, $0x1;
	s10 =	sld [smem:$0x3FBA];
	_ =	sdelay $0x3  }
0x37: {  	[smem:$0x3FBA] =	sst s10  }
0x38: {  	s10 =	sld [smem:$0x3FBB]  }
0x39: {  	_ = 	snop;
	(pc) =	sbr.ind lr, $3  }
0x3a: {  	_ = 	snop  }
0x3b: {  	_ = 	snop  }
0x3c: {  	p2 =	seq.s32 s10, $0x1;
	s10 =	sld [smem:$0x3FBA]  }
0x3d: {  	_ =	shalt  }
0x3e: {  	_ =	shalt  }
0x3f: {  	_ =	shalt  }
0x40: {  	_ =	shalt  }
0x41: {  	_ =	shalt  }
0x42: {  	_ =	shalt  }
0x43: {  	_ =	shalt  }
0x44: {  	_ =	shalt  }
0x45: {  	_ =	shalt  }
0x46: {  	_ =	shalt  }
0x47: {  	_ =	shalt  }
0x48: {  	_ =	shalt  }
0x49: {  	_ =	shalt  }
0x4a: {  	_ =	shalt  }
0x4b: {  	_ =	shalt  }
0x4c: {  	_ =	shalt  }
0x4d: {  	_ =	shalt  }
0x4e: {  	_ =	shalt  }
0x4f: {  	_ =	shalt  }
0x50: {  	_ =	shalt  }
0x51: {  	_ =	shalt  }
0x52: {  	_ =	shalt  }
0x53: {  	_ =	shalt  }
0x54: {  	_ =	shalt  }
0x55: {  	_ =	shalt  }
0x56: {  	_ =	shalt  }
0x57: {  	_ =	shalt  }
0x58: {  	_ =	shalt  }
0x59: {  	_ =	shalt  }
0x5a: {  	_ =	shalt  }
0x5b: {  	_ =	shalt  }
0x5c: {  	_ =	shalt  }
0x5d: {  	_ =	shalt  }
0x5e: {  	_ =	shalt  }
0x5f: {  	_ =	shalt  }
0x60: {  	_ =	shalt  }
0x61: {  	_ =	shalt  }
0x62: {  	_ =	shalt  }
0x63: {  	_ =	shalt  }
0x64: {  	_ =	shalt  }
0x65: {  	_ =	shalt  }
0x66: {  	_ =	shalt  }
0x67: {  	_ =	shalt  }
0x68: {  	_ =	shalt  }
0x69: {  	_ =	shalt  }
0x6a: {  	_ =	shalt  }
0x6b: {  	_ =	shalt  }
0x6c: {  	_ =	shalt  }
0x6d: {  	_ =	shalt  }
0x6e: {  	_ =	shalt  }
0x6f: {  	_ =	shalt  }
0x70: {  	_ =	shalt  }
0x71: {  	_ =	shalt  }
0x72: {  	_ =	shalt  }
0x73: {  	_ =	shalt  }
0x74: {  	_ =	shalt  }
0x75: {  	_ =	shalt  }
0x76: {  	_ =	shalt  }
0x77: {  	_ =	shalt  }
0x78: {  	_ =	shalt  }
0x79: {  	_ =	shalt  }
0x7a: {  	_ =	shalt  }
0x7b: {  	_ =	shalt  }
0x7c: {  	_ =	shalt  }
0x7d: {  	_ =	shalt  }
0x7e: {  	_ =	shalt  }
0x7f: {  	_ =	shalt  }
0x80: {  	_ =	shalt  }
0x81: {  	_ =	shalt  }
0x82: {  	_ =	shalt  }
0x83: {  	_ =	shalt  }
0x84: {  	_ =	shalt  }
0x85: {  	_ =	shalt  }
0x86: {  	_ =	shalt  }
0x87: {  	_ =	shalt  }
.Lfunc_end0:
.L_simem_size_0:
called_computation_lowered:
.L_overlay_start_0:
0x88: {  	s2 =	sld [smem:$0x3FD9]  }
0x89: {  	s3 =	sld [smem:$0x3FFE];
	_ =	sdelay $0x1  }
0x8a: {  	s1 =	srdreg.scid  }
0x8b: {  	s0 =	sand.u32 $0x1, s1  }
0x8c: {  	s15 =	sshll.u32 s0, $0xA;
	s2 =	sadd.s32 s3, s2  }
0x8d: {  	s2 =	sadd.s32 s2, s15  }
0x8e: {  	[smem:$0x3FC6] =	sst s2  }
0x8f: {  	_ = 	snop  }
0x90: {  	s2 =	sld [smem:$0x3FD0];
	_ =	sdelay $0x2  }
0x91: {  	s4 =	simm.s32 $0xA;
	s5 =	simm.s32 $0x10;
	s16 =	sld [smem:$0x3FC9]  }
0x92: {  	[smem:s5], [sflag:s4] =	dma.local [hbm:s2], $0x1  }
0x93: {  	_ =	swait.eq [sflag:s4], $0x1  }
0x94: {  	[sflag:s4] =	ssyncset.done $0x0  }
0x95: {  	[sflag:s4] =	ssyncadd.s32 $0xFFFFFFFF  }
0x96: {  	s17 =	sld [smem:$0x10];
	(tm) =	ssettm $0x1  }
0x97: {  	s18 =	sld [smem:$0x3FFB];
	_ =	sdelay $0x3  }
0x98: {  	_ =	strace s18  }
0x99: {  	s4 =	sld [smem:$0x3FFC];
	_ =	sdelay $0x3  }
0x9a: {  	_ =	strace s4  }
0x9b: {  	s4 =	sld [smem:$0x3FFD];
	_ =	sdelay $0x3  }
0x9c: {  	_ =	strace s4  }
0x9d: {  	_ =	strace $0x8FFFFFFF  }
0x9e: {  	s19 =	sld [smem:$0x3FDB];
	_ =	sdelay $0x1  }
0x9f: {  	s20 =	simm.s32 $_scs_section_size  }
0xa0: {  	s6 =	simm.s32 $_size__tile_overlayer_lowered;
	s7 =	simm.s32 $_tile_overlayer_lowered  }
0xa1: {  	s23 =	simm.s32 $0x1BFF;
	s22 =	sshll.u32 s7, $0x1;
	s4 =	sadd.s32 s20, s19  }
0xa2: {  	s8 =	simm.s32 $0x0;
	s21 =	sshll.u32 s6, $0x1;
	s6 =	sadd.s32 s22, s4  }
0xa3: {  	[timem:s8], [sflag:s23] =	dma.local [hbm:s6], s21  }
0xa4: {  	_ =	swait.ge [sflag:s23], s21  }
0xa5: {  	s5 =	ssub.s32 $0x0, s21;
	[sflag:s23] =	ssyncset.done $0x0  }
0xa6: {  	[sflag:s23] =	ssyncadd.s32 s5;
	_ =	sdelay $0x1  }
0xa7: {  	s24 =	simm.s32 $0x1B8B  }
0xa8: {  	_ =	swait.ge [sflag:s24], $0x1  }
0xa9: {  	[sflag:s24] =	ssyncset.done $0x0  }
0xaa: {  	s25 =	simm.s32 $0x1B8E;
	[sflag:s24] =	ssyncadd.s32 $0xFFFFFFFF  }
0xab: {  	s26 =	simm.s32 $execute0_lowered;
	[smem:$0x3FD2] =	sst s25  }
0xac: {  	s5 =	sshll.u32 s26, $0x1;
	_ =	strace $0x80000046;
	[dreg:$0x1] =	wrdreg $0xFFFFFFFF  }
0xad: {  	s28 =	simm.s32 $_size_execute0_lowered;
	s4 =	sadd.s32 s4, s5;
	[dreg:$0x0] =	wrdreg $0x0  }
0xae: {  	s5 =	sshll.u32 s28, $0x1;
	[dreg:$0x2] =	wrdreg s4  }
0xaf: {  	[dreg:$0x3] =	wrdreg s5  }
0xb0: {  	[dreg:$0x4] =	wrdreg $0xC0  }
0xb1: {  	_ =	task [dreg:s8], $0x5FFFF  }
0xb2: {  	[dreg:$0x1] =	wrdreg $0xFFFFFFFF  }
0xb3: {  	[dreg:$0x0] =	wrdreg $0x60  }
0xb4: {  	[dreg:$0x2] =	wrdreg s16  }
0xb5: {  	[dreg:$0x3] =	wrdreg s17  }
0xb6: {  	[dreg:$0x4] =	wrdreg $0x9  }
0xb7: {  	_ =	task.clear_ibuf [dreg:s8], $0x5FFFF;
	_ =	strace $0x90000046  }
0xb8: {  	s29 =	simm.s32 $0x9;
	_ =	strace $0x80000048  }
0xb9: {  	_ =	swait.ge [sflag:s29], $0x1  }
0xba: {  	[sflag:s29] =	ssyncadd.s32 $0xFFFFFFFF  }
0xbb: {  	_ =	strace $0x90000048  }
0xbc: {  	_ =	sfence  }
0xbd: {  	s30 =	sld [smem:$0x0];
	_ =	sdelay $0x2  }
0xbe: {  	s31 =	sshll.u32 s1, $0xD;
	s1 =	sshrl.u32 s1, $0x2  }
0xbf: {  	s3 =	sand.u32 $0x4000, s31;
	s1 =	sadd.s32 s1, s30  }
0xc0: {  	s0 =	sor.u32 s3, s0;
	s1 =	sshll.u32 s1, $0x11  }
0xc1: {  	s0 =	sor.u32 s1, s0  }
0xc2: {  	s0 =	sadd.s32 $0x8F2B, s0  }
0xc3: {  	[sflag:s0] =	ssyncadd.remote.s32 $0x1  }
0xc4: {  	_ =	sfence.sel $0xFFFF  }
0xc5: {  	[dreg:$0x0] =	wrdreg $0xFFFFFFFF;
	(pc) =	sbr.abs _section_cstart, $3  }
0xc6: {  	[dreg:$0x1] =	wrdreg $0xFFFFFFFF  }
0xc7: {  	_ =	task.clear_ibuf [dreg:s8], $0x2FFFF;
	_ =	strace $0x9FFFFFFF  }
0xc8: {  	(tm) =	ssettm $0x7FFFFFFF  }
0xc9: {  	_ =	shalt  }
tec
execute0_lowered:
.L_overlay_start_1:
0x0: {  	(tag) =	ssettag $0x1  }
0x1: {  	s15 =	rddreg [dreg:$0x0]  }
0x2: {  	s22 =	rddreg [dreg:$0x1]  }
0x3: {  	s2 =	srdreg.scid;
	s0 =	rddreg [dreg:$0x2]  }
0x4: {  	s1 =	stileid.u32;
	s25 =	sand.u32 $0x1, s2;
	s2 =	simm.s32 $0x0  }
0x5: {  	s3 =	sshll.u32 s1, $0xA;
	s4 =	sshll.u32 s25, $0x9;
	[smem:$0x7FF] =	sst s2  }
0x6: {  	s5 =	simm.s32 $0x20000;
	s16 =	sor.u32 s4, s3;
	_ =	strace $0x80000047  }
0x7: {  	s4 =	simm.s32 $0x1000;
	s3 =	sadd.s32 s15, s16;
	s17 =	sor.u32 $0x14000, s16  }
0x8: {  	[tilespmem:s2], [sflag:$0x1] =	stream.strided.gather [hbm4b:s3+s4], $0x5000, s5, s4, $0x38;
	[tilespmem:$0x14000] =	vst v63  }
0x9: {  	s7 =	simm.s32 $0x5000;
	s19 =	sor.u32 $0x28000, s16;
	s6 =	sadd.s32 s15, s17  }
0xa: {  	[tilespmem:s7], [sflag:$0x2] =	stream.strided.gather [hbm4b:s6+s4], $0x5000, s5, s4, $0x38;
	[tilespmem:$0x14000] =	vst v63  }
0xb: {  	s9 =	simm.s32 $0xA000;
	s21 =	sor.u32 $0x3C000, s16;
	s8 =	sadd.s32 s15, s19  }
0xc: {  	[tilespmem:s9], [sflag:$0x3] =	stream.strided.gather [hbm4b:s8+s4], $0x5000, s5, s4, $0x38;
	[tilespmem:$0x14000] =	vst v63  }
0xd: {  	s11 =	simm.s32 $0xF000;
	s12 =	simm.s32 $0x1;
	s10 =	sadd.s32 s15, s21  }
0xe: {  	[tilespmem:s11], [sflag:$0x4] =	stream.strided.gather [hbm4b:s10+s4], $0x5000, s5, s4, $0x38;
	[tilespmem:$0x14000] =	vst v63  }
0xf: {  	_ =	swait.ge [sflag:s12], $0x5000  }
0x10: {  	[sflag:s12] =	ssyncset.done $0x0  }
0x11: {  	s13 =	simm.s32 $0x5;
	s14 =	sadd.s32 s22, s16;
	[sflag:s12] =	ssyncadd.s32 $0xFFFFB000  }
0x12: {  	[hbm4b:s14+s4] =	stream.strided.scatter [tilespmem:s2], [sflag:$0x5], $0x5000, s5, s4, $0x38;
	[tilespmem:$0x14000] =	vst v63  }
0x13: {  	_ =	swait.ge [sflag:s13], $0x5000  }
0x14: {  	s23 =	sor.u32 $0x50000, s16;
	[sflag:s13] =	ssyncset.done $0x0  }
0x15: {  	s16 =	simm.s32 $0x2;
	s15 =	sadd.s32 s15, s23;
	[sflag:s13] =	ssyncadd.s32 $0xFFFFB000  }
0x16: {  	[tilespmem:s2], [sflag:$0x1] =	stream.strided.gather [hbm4b:s15+s4], $0x5000, s5, s4, $0x38;
	[tilespmem:$0x14000] =	vst v63  }
0x17: {  	_ =	swait.ge [sflag:s16], $0x5000  }
0x18: {  	[sflag:s16] =	ssyncset.done $0x0  }
0x19: {  	s18 =	simm.s32 $0x3;
	s17 =	sadd.s32 s22, s17;
	[sflag:s16] =	ssyncadd.s32 $0xFFFFB000  }
0x1a: {  	[hbm4b:s17+s4] =	stream.strided.scatter [tilespmem:s7], [sflag:$0x6], $0x5000, s5, s4, $0x38;
	[tilespmem:$0x14000] =	vst v63  }
0x1b: {  	_ =	swait.ge [sflag:s18], $0x5000  }
0x1c: {  	[sflag:s18] =	ssyncset.done $0x0  }
0x1d: {  	s20 =	simm.s32 $0x4;
	s19 =	sadd.s32 s22, s19;
	[sflag:s18] =	ssyncadd.s32 $0xFFFFB000  }
0x1e: {  	[hbm4b:s19+s4] =	stream.strided.scatter [tilespmem:s9], [sflag:$0x7], $0x5000, s5, s4, $0x38;
	[tilespmem:$0x14000] =	vst v63  }
0x1f: {  	_ =	swait.ge [sflag:s20], $0x5000  }
0x20: {  	[sflag:s20] =	ssyncset.done $0x0  }
0x21: {  	s21 =	sadd.s32 s22, s21;
	[sflag:s20] =	ssyncadd.s32 $0xFFFFB000  }
0x22: {  	[hbm4b:s21+s4] =	stream.strided.scatter [tilespmem:s11], [sflag:$0x8], $0x5000, s5, s4, $0x38;
	[tilespmem:$0x14000] =	vst v63  }
0x23: {  	_ =	swait.ge [sflag:s12], $0x5000  }
0x24: {  	[sflag:s12] =	ssyncset.done $0x0  }
0x25: {  	s22 =	sadd.s32 s22, s23;
	s23 =	simm.s32 $0x6;
	[sflag:s12] =	ssyncadd.s32 $0xFFFFB000  }
0x26: {  	[hbm4b:s22+s4] =	stream.strided.scatter [tilespmem:s2], [sflag:$0x5], $0x5000, s5, s4, $0x38;
	[tilespmem:$0x14000] =	vst v63  }
0x27: {  	_ =	swait.ge [sflag:s23], $0x5000  }
0x28: {  	s26 =	ssub.s32 $0x2, s25;
	[sflag:s23] =	ssyncset.done $0x0  }
0x29: {  	s24 =	simm.s32 $0x7;
	s28 =	sshrl.u32 s26, $0x1;
	[sflag:s23] =	ssyncadd.s32 $0xFFFFB000  }
0x2a: {  	s26 =	ssub.s32 s26, s28;
	_ =	swait.ge [sflag:s24], $0x5000  }
0x2b: {  	s26 =	smax.u32 s26, $0x1;
	[sflag:s24] =	ssyncset.done $0x0  }
0x2c: {  	s25 =	simm.s32 $0x8;
	p0 =	sne.s32 s26, $0x1;
	[sflag:s24] =	ssyncadd.s32 $0xFFFFB000  }
.Ltmp0:
0x2d: {  	_ =	swait.ge [sflag:s25], $0x5000;
	(pc) =	sbr.rel @!p0 .LBB2_2-.Ltmp0, $4  }
0x2e: {  	[sflag:s25] =	ssyncset.done $0x0  }
0x2f: {  	[sflag:s25] =	ssyncadd.s32 $0xFFFFB000  }
0x30: {  	_ =	swait.ge [sflag:s13], $0x5000  }
0x31: {  	s26 =	sadd.s32 $0xFFFFFFFF, s26;
	[sflag:s13] =	ssyncset.done $0x0  }
.LBB2_1:
0x32: {  	p0 =	sne.s32 s26, $0x1;
	s26 =	sadd.s32 $0xFFFFFFFF, s26;
	[sflag:s13] =	ssyncadd.s32 $0xFFFFB000  }
0x33: {  	[tilespmem:s2], [sflag:$0x1] =	stream.strided.gather [hbm4b:s3+s4], $0x5000, s5, s4, $0x38;
	[tilespmem:$0x14000] =	vst v63  }
0x34: {  	_ = 	snop  }
0x35: {  	[tilespmem:s7], [sflag:$0x2] =	stream.strided.gather [hbm4b:s6+s4], $0x5000, s5, s4, $0x38;
	[tilespmem:$0x14000] =	vst v63  }
0x36: {  	_ = 	snop  }
0x37: {  	[tilespmem:s9], [sflag:$0x3] =	stream.strided.gather [hbm4b:s8+s4], $0x5000, s5, s4, $0x38;
	[tilespmem:$0x14000] =	vst v63  }
0x38: {  	_ = 	snop  }
0x39: {  	[tilespmem:s11], [sflag:$0x4] =	stream.strided.gather [hbm4b:s10+s4], $0x5000, s5, s4, $0x38;
	[tilespmem:$0x14000] =	vst v63  }
0x3a: {  	_ =	swait.ge [sflag:s12], $0x5000  }
0x3b: {  	[sflag:s12] =	ssyncset.done $0x0  }
0x3c: {  	[sflag:s12] =	ssyncadd.s32 $0xFFFFB000  }
0x3d: {  	[hbm4b:s14+s4] =	stream.strided.scatter [tilespmem:s2], [sflag:$0x5], $0x5000, s5, s4, $0x38;
	[tilespmem:$0x14000] =	vst v63  }
0x3e: {  	_ =	swait.ge [sflag:s13], $0x5000  }
0x3f: {  	[sflag:s13] =	ssyncset.done $0x0  }
0x40: {  	[sflag:s13] =	ssyncadd.s32 $0xFFFFB000  }
0x41: {  	[tilespmem:s2], [sflag:$0x1] =	stream.strided.gather [hbm4b:s15+s4], $0x5000, s5, s4, $0x38;
	[tilespmem:$0x14000] =	vst v63  }
0x42: {  	_ =	swait.ge [sflag:s16], $0x5000  }
0x43: {  	[sflag:s16] =	ssyncset.done $0x0  }
0x44: {  	[sflag:s16] =	ssyncadd.s32 $0xFFFFB000  }
0x45: {  	[hbm4b:s17+s4] =	stream.strided.scatter [tilespmem:s7], [sflag:$0x6], $0x5000, s5, s4, $0x38;
	[tilespmem:$0x14000] =	vst v63  }
0x46: {  	_ =	swait.ge [sflag:s18], $0x5000  }
0x47: {  	[sflag:s18] =	ssyncset.done $0x0  }
0x48: {  	[sflag:s18] =	ssyncadd.s32 $0xFFFFB000  }
0x49: {  	[hbm4b:s19+s4] =	stream.strided.scatter [tilespmem:s9], [sflag:$0x7], $0x5000, s5, s4, $0x38;
	[tilespmem:$0x14000] =	vst v63  }
0x4a: {  	_ =	swait.ge [sflag:s20], $0x5000  }
0x4b: {  	[sflag:s20] =	ssyncset.done $0x0  }
0x4c: {  	[sflag:s20] =	ssyncadd.s32 $0xFFFFB000  }
0x4d: {  	[hbm4b:s21+s4] =	stream.strided.scatter [tilespmem:s11], [sflag:$0x8], $0x5000, s5, s4, $0x38;
	[tilespmem:$0x14000] =	vst v63  }
0x4e: {  	_ =	swait.ge [sflag:s12], $0x5000  }
0x4f: {  	[sflag:s12] =	ssyncset.done $0x0  }
0x50: {  	[sflag:s12] =	ssyncadd.s32 $0xFFFFB000  }
0x51: {  	[hbm4b:s22+s4] =	stream.strided.scatter [tilespmem:s2], [sflag:$0x5], $0x5000, s5, s4, $0x38;
	[tilespmem:$0x14000] =	vst v63  }
0x52: {  	_ =	swait.ge [sflag:s23], $0x5000  }
0x53: {  	[sflag:s23] =	ssyncset.done $0x0  }
0x54: {  	[sflag:s23] =	ssyncadd.s32 $0xFFFFB000  }
0x55: {  	_ =	swait.ge [sflag:s24], $0x5000  }
0x56: {  	[sflag:s24] =	ssyncset.done $0x0  }
0x57: {  	[sflag:s24] =	ssyncadd.s32 $0xFFFFB000  }
.Ltmp1:
0x58: {  	_ =	swait.ge [sflag:s25], $0x5000;
	(pc) =	sbr.rel @p0 .LBB2_1-.Ltmp1, $4  }
0x59: {  	[sflag:s25] =	ssyncset.done $0x0  }
0x5a: {  	[sflag:s25] =	ssyncadd.s32 $0xFFFFB000  }
0x5b: {  	_ =	swait.ge [sflag:s13], $0x5000  }
0x5c: {  	[sflag:s13] =	ssyncset.done $0x0  }
.LBB2_2:
0x5d: {  	[sflag:s13] =	ssyncadd.s32 $0xFFFFB000  }
0x5e: {  	_ =	sfence.sel $0x180000  }
0x5f: {  	[bflag:$0x0] =	sbarrier.arrive $0xFFFF  }
0x60: {  	p0 =	sne.s32 s1, $0x0;
	_ =	strace $0x90000047  }
0x61: {  	s0 =	sadd.s32 @!p0 $0x100000, s0;
	[bflag:$0x2] =	sbarrier.arrive $0xFFFF  }
0x62: {  	[sflag:s0] =	ssyncadd.tile.s32 @!p0 $0x1;
	_ =	shalt  }
.Lfunc_end2:
_tile_overlayer_lowered:
.L_overlay_start_2:
0x63: {  	(tag) =	ssettag $0x2  }
0x64: {  	s0 =	rddreg [dreg:$0x0];
	s2 =	stileid.u32  }
0x65: {  	s1 =	rddreg [dreg:$0x1];
	p0 =	sne.s32 s2, $0x0  }
0x66: {  	s3 =	rddreg [dreg:$0x2];
	[bflag:$0x3] =	sbarrier.arrive $0xFFFF;
	s2 =	simm.s32 @!p0 $0x1C09  }
0x67: {  	[timem:s3], [sflag:s2] =	dma.local @!p0 [hbm:s0], s1  }
0x68: {  	s0 =	simm.s32 @!p0 $0x9  }
0x69: {  	_ =	swait.ge @!p0 [sflag:s0], s1  }
0x6a: {  	s1 =	ssub.s32 @!p0 $0x0, s1;
	[sflag:s0] =	ssyncset.done @!p0 $0x0  }
0x6b: {  	[sflag:s0] =	ssyncadd.s32 @!p0 s1  }
0x6c: {  	[bflag:$0x3] =	sbarrier.arrive $0xFFFF  }
0x6d: {  	_ =	shalt  }

</sc_bundles>
